<compile_context>
chip_gen: v7x
topology: tpu7x:2x2x1
jax: 0.10.2.dev20260603
libtpu: 0.0.44.dev20260713+nightly
codegen_flags: <defaults>
</compile_context>

<pallas_src>
import functools

import jax
import jax.numpy as jnp
from jax import lax
from jax.experimental import pallas as pl
from jax.experimental.pallas import tpu as pltpu
from jax.experimental.pallas import tpu_sc as plsc

_NUM_CORES = 2
_NUM_SUBCORES = 16
_NUM_WORKERS = _NUM_CORES * _NUM_SUBCORES
_CHUNK = 320
_N_CHUNKS = 1


def _ln_table_body(table_ref, gamma_ref, beta_ref, out_ref):
    t = table_ref[...]
    mu = jnp.mean(t, axis=1, keepdims=True)
    var = jnp.mean((t - mu) ** 2, axis=1, keepdims=True)
    out_ref[...] = (t - mu) * lax.rsqrt(var + 1e-5) * gamma_ref[...] + beta_ref[...]


def _sc_gather(norm_table, idx_flat):
    n, d = idx_flat.shape[0], norm_table.shape[1]
    v = norm_table.shape[0]
    per_w = n // _NUM_WORKERS
    chunk = _CHUNK
    while per_w % chunk:
        chunk -= 8
    n_it = per_w // chunk
    mesh = plsc.VectorSubcoreMesh(
        core_axis_name="c", subcore_axis_name="s",
        num_cores=_NUM_CORES, num_subcores=_NUM_SUBCORES)

    @functools.partial(
        pl.kernel,
        mesh=mesh,
        out_type=jax.ShapeDtypeStruct((n, d), jnp.float32),
        scratch_types=[
            pltpu.VMEM_SHARED((v, d), jnp.float32),
            pltpu.VMEM((per_w,), jnp.int32),
            pltpu.VMEM((chunk, d), jnp.float32),
            pltpu.VMEM((chunk, d), jnp.float32),
            pltpu.SemaphoreType.DMA,
            pltpu.SemaphoreType.DMA,
        ],
        compiler_params=pltpu.CompilerParams(use_tc_tiling_on_sc=False),
    )
    def gather_k(tbl_hbm, idx_hbm, out_hbm, tbl_v, idx_v, rows0, rows1,
                 sem0, sem1):
        wid = lax.axis_index("s") * _NUM_CORES + lax.axis_index("c")
        base = wid * per_w

        @pl.when(lax.axis_index("s") == 0)
        def _():
            pltpu.sync_copy(tbl_hbm, tbl_v)

        pltpu.sync_copy(idx_hbm.at[pl.ds(base, per_w)], idx_v)
        plsc.subcore_barrier()

        def start(j, rows, sem):
            pltpu.async_copy(
                tbl_v.at[idx_v.at[pl.ds(j * chunk, chunk)]], rows, sem)

        def drain(j, rows, sem):
            pltpu.make_async_copy(
                tbl_v.at[idx_v.at[pl.ds(j * chunk, chunk)]], rows, sem
            ).wait()
            pltpu.sync_copy(rows, out_hbm.at[pl.ds(base + j * chunk, chunk)])

        start(0, rows0, sem0)

        def body(k, carry):
            j0 = 2 * k
            start(j0 + 1, rows1, sem1)
            drain(j0, rows0, sem0)

            @pl.when(j0 + 2 < n_it)
            def _():
                start(j0 + 2, rows0, sem0)

            drain(j0 + 1, rows1, sem1)
            return carry

        lax.fori_loop(0, n_it // 2, body, 0)
        if n_it % 2:
            drain(n_it - 1, rows0, sem0)

    return gather_k(norm_table, idx_flat)


def _lstm_body(emb_ref, wpp_ref, bias_ref, wcls_ref, bcls_ref, out_ref,
               h_scr, c_scr):
    t = pl.program_id(0)
    nt = pl.num_programs(0)
    h2 = h_scr.shape[0]

    live = t > 0
    xt_pp = jnp.swapaxes(emb_ref[0], 0, 1)
    hp = jnp.where(live, h_scr[...], 0.0)
    cp = jnp.where(live, c_scr[...], 0.0)
    cat_pp = jnp.concatenate([xt_pp, hp], axis=0)
    gates = jnp.dot(wpp_ref[...], cat_pp,
                    preferred_element_type=jnp.float32) + bias_ref[...]
    i = 0.5 * jnp.tanh(gates[0 * h2:1 * h2]) + 0.5
    f = 0.5 * jnp.tanh(gates[1 * h2:2 * h2]) + 0.5
    g = jnp.tanh(gates[2 * h2:3 * h2])
    o = 0.5 * jnp.tanh(gates[3 * h2:4 * h2]) + 0.5
    c = f * cp + i * g
    hn = o * jnp.tanh(c)
    h_scr[...] = hn
    c_scr[...] = c

    @pl.when(t == nt - 1)
    def _():
        out_ref[...] = lax.dot_general(
            hn, wcls_ref[...], (((0,), (0,)), ((), ())),
            preferred_element_type=jnp.float32) + bcls_ref[...]


def kernel(x, table, gamma, beta, W_ih, W_hh, b_ih, b_hh, W_cls, b_cls):
    B, T = x.shape
    V, D = table.shape
    H = W_hh.shape[1]
    C = W_cls.shape[0]

    norm_table = pl.pallas_call(
        _ln_table_body,
        out_shape=jax.ShapeDtypeStruct((V, D), jnp.float32),
    )(table, gamma.reshape(1, D), beta.reshape(1, D))

    z_d = jnp.zeros((H, D), jnp.float32)
    z_h = jnp.zeros((H, H), jnp.float32)
    blocks = []
    for gi in range(4):
        wi = W_ih[gi * H:(gi + 1) * H]
        wh = W_hh[gi * H:(gi + 1) * H]
        blocks.append(jnp.concatenate([wi, z_d, wh, z_h], axis=1))
        blocks.append(jnp.concatenate([z_d, wi, z_h, wh], axis=1))
    wpp = jnp.concatenate(blocks, axis=0)
    bias4 = (b_ih + b_hh)
    bias_pp = jnp.concatenate(
        [jnp.tile(bias4[gi * H:(gi + 1) * H], 2) for gi in range(4)]
    ).reshape(8 * H, 1)
    gate_scale = jnp.where(
        (jnp.arange(8 * H) >= 4 * H) & (jnp.arange(8 * H) < 6 * H), 1.0, 0.5
    ).astype(jnp.float32)
    wpp = wpp * gate_scale[:, None]
    bias_pp = bias_pp * gate_scale[:, None]

    z_hc = jnp.zeros((H, C), jnp.float32)
    wcls_pp = jnp.concatenate([
        jnp.concatenate([W_cls.T, z_hc], axis=1),
        jnp.concatenate([z_hc, W_cls.T], axis=1)], axis=0)
    bcls_pp = jnp.tile(b_cls, 2).reshape(1, 2 * C)

    bc = B // _N_CHUNKS
    bp = bc // 2
    lstm = pl.pallas_call(
        _lstm_body,
        grid=(T,),
        in_specs=[
            pl.BlockSpec((1, bp, 2 * D), lambda t: (t, 0, 0)),
            pl.BlockSpec((8 * H, 2 * (D + H)), lambda t: (0, 0)),
            pl.BlockSpec((8 * H, 1), lambda t: (0, 0)),
            pl.BlockSpec((2 * H, 2 * C), lambda t: (0, 0)),
            pl.BlockSpec((1, 2 * C), lambda t: (0, 0)),
        ],
        out_specs=pl.BlockSpec((bp, 2 * C), lambda t: (0, 0)),
        out_shape=jax.ShapeDtypeStruct((bp, 2 * C), jnp.float32),
        scratch_shapes=[
            pltpu.VMEM((2 * H, bp), jnp.float32),
            pltpu.VMEM((2 * H, bp), jnp.float32),
        ],
    )

    outs = []
    for k in range(_N_CHUNKS):
        xk = lax.slice_in_dim(x, k * bc, (k + 1) * bc, axis=0)
        idx_k = xk.T.reshape(-1)
        emb_k = _sc_gather(norm_table, idx_k)
        emb_k = emb_k.reshape(T, bp, 2 * D)
        outs.append(lstm(emb_k, wpp, bias_pp, wcls_pp, bcls_pp))
    return jnp.concatenate([o.reshape(bc, C) for o in outs], axis=0)

# --- scband reference (transcript-rebuilt; emitter-appended) ---
"""Pipeline reference for scband-torch-model-21543555956779 (READ-ONLY COPY).

The authoritative reference and input builder live on the scoring server;
editing this copy changes nothing except your own understanding.
"""

import jax, jax.numpy as jnp
import numpy as np

B, T, V, D, H, C = 4096, 50, 1001, 64, 64, 10

def setup_inputs(seed: int = 0):
    key = jax.random.key(seed)
    ks = jax.random.split(key, 10)
    x = jax.random.randint(ks[0], (B, T), 0, V, dtype=jnp.int32)
    table = jax.random.normal(ks[1], (V, D), dtype=jnp.float32)
    table = table.at[0].set(0.0)  # padding_idx=0
    gamma = jnp.ones((D,), jnp.float32)
    beta = jnp.zeros((D,), jnp.float32)
    s = 1.0 / np.sqrt(H)
    W_ih = jax.random.uniform(ks[2], (4 * H, D), jnp.float32, -s, s)
    W_hh = jax.random.uniform(ks[3], (4 * H, H), jnp.float32, -s, s)
    b_ih = jax.random.uniform(ks[4], (4 * H,), jnp.float32, -s, s)
    b_hh = jax.random.uniform(ks[5], (4 * H,), jnp.float32, -s, s)
    W_cls = jax.random.uniform(ks[6], (C, H), jnp.float32, -s, s)
    b_cls = jax.random.uniform(ks[7], (C,), jnp.float32, -s, s)
    return {"x": x, "table": table, "gamma": gamma, "beta": beta,
            "W_ih": W_ih, "W_hh": W_hh, "b_ih": b_ih, "b_hh": b_hh,
            "W_cls": W_cls, "b_cls": b_cls}

def reference(x, table, gamma, beta, W_ih, W_hh, b_ih, b_hh, W_cls, b_cls):
    # Embedding lookup (padding row 0 is zeros)
    emb = jnp.take(table, x, axis=0)  # [B, T, D]
    # LayerNorm over last dim (eps=1e-5)
    mu = emb.mean(-1, keepdims=True)
    var = ((emb - mu) ** 2).mean(-1, keepdims=True)
    h = (emb - mu) / jnp.sqrt(var + 1e-5) * gamma + beta
    # Dropout: eval mode -> identity
    def step(carry, xt):
        hp, cp = carry
        gates = xt @ W_ih.T + hp @ W_hh.T + b_ih + b_hh
        i, f, g, o = jnp.split(gates, 4, axis=-1)
        i = jax.nn.sigmoid(i)
        f = jax.nn.sigmoid(f)
        g = jnp.tanh(g)
        o = jax.nn.sigmoid(o)
        c = f * cp + i * g
        hn = o * jnp.tanh(c)
        return (hn, c), hn
    h0 = jnp.zeros((x.shape[0], H), jnp.float32)
    c0 = jnp.zeros((x.shape[0], H), jnp.float32)
    (ht, ct), _ = jax.lax.scan(step, (h0, c0), jnp.swapaxes(h, 0, 1))
    # classify(ht.squeeze()) -> [B, C]
    return ht @ W_cls.T + b_cls

if __name__ == "__main__":
    import jax
    _d = setup_inputs()
    print(jax.jit(kernel)(*tuple(_d.values())))

</pallas_src>

<mosaic_0001>
#map = affine_map<(d0, d1) -> (0, 0)>
#map1 = affine_map<(d0, d1) -> (0)>
module attributes {stable_mosaic.version = 14 : i64} {
  func.func @gather_k(%arg0: i32, %arg1: i32, %arg2: memref<1001x64xf32, #tpu.memory_space<hbm>>, %arg3: memref<204800xi32, #tpu.memory_space<hbm>>, %arg4: memref<204800x64xf32, #tpu.memory_space<hbm>>, %arg5: memref<1001x64xf32, #tpu.memory_space<vmem_shared>>, %arg6: memref<6400xi32, #tpu.memory_space<vmem>>, %arg7: memref<320x64xf32, #tpu.memory_space<vmem>>, %arg8: memref<320x64xf32, #tpu.memory_space<vmem>>, %arg9: memref<!tpu.dma_semaphore, #tpu.memory_space<semaphore_mem>>, %arg10: memref<!tpu.dma_semaphore, #tpu.memory_space<semaphore_mem>>) attributes {dimension_semantics = [#tpu.dimension_semantics<core_parallel>, #tpu.dimension_semantics<subcore_parallel>], iteration_bounds = array<i64: 2, 16>, scalar_prefetch = 0 : i64, scratch_operands = 6 : i64, tpu.core_type = #tpu.core_type<sc_vector_subcore>, window_params = [{transform_indices = #map}, {transform_indices = #map1}, {transform_indices = #map}]} {
    %mul3A = arith.constant 2 : i32
    %mul3A_0 = arith.muli %arg1, %mul3A : i32
    %add3A = arith.addi %mul3A_0, %arg0 : i32
    %mul3A_1 = arith.constant 6400 : i32
    %mul3A_2 = arith.muli %add3A, %mul3A_1 : i32
    %eq3A = arith.constant 0 : i32
    %eq3A_3 = arith.cmpi eq, %arg1, %eq3A : i32
    %convert_element_type3A = arith.extui %eq3A_3 : i1 to i32
    %cond3A = arith.constant 0 : i32
    %cond3A_4 = arith.cmpi ne, %convert_element_type3A, %cond3A : i32
    scf.if %cond3A_4 {
      "tpu.region"() ({
        %run_scoped3A = tpu.sem_alloc : memref<!tpu.dma_semaphore, #tpu.memory_space<semaphore_mem>>
        tpu.enqueue_dma source(%arg2 : memref<1001x64xf32, #tpu.memory_space<hbm>>) target(%arg5 : memref<1001x64xf32, #tpu.memory_space<vmem_shared>>) target_semaphore(%run_scoped3A : memref<!tpu.dma_semaphore, #tpu.memory_space<semaphore_mem>>)
        tpu.wait_dma2 semaphore(%run_scoped3A : memref<!tpu.dma_semaphore, #tpu.memory_space<semaphore_mem>>) src(%arg2 : memref<1001x64xf32, #tpu.memory_space<hbm>>) dst(%arg5 : memref<1001x64xf32, #tpu.memory_space<vmem_shared>>)
        tpu.yield
      }) : () -> ()
    } else {
    }
    "tpu.region"() ({
      %run_scoped3A = tpu.sem_alloc : memref<!tpu.dma_semaphore, #tpu.memory_space<semaphore_mem>>
      %dma_start3A_14 = tpu.memref_slice %arg3[%mul3A_2] : memref<204800xi32, #tpu.memory_space<hbm>> -> memref<6400xi32, #tpu.memory_space<hbm>>
      %dma_start3A_15 = tpu.memref_slice %arg3[%mul3A_2] : memref<204800xi32, #tpu.memory_space<hbm>> -> memref<6400xi32, #tpu.memory_space<hbm>>
      tpu.enqueue_dma source(%dma_start3A_15 : memref<6400xi32, #tpu.memory_space<hbm>>) target(%arg6 : memref<6400xi32, #tpu.memory_space<vmem>>) target_semaphore(%run_scoped3A : memref<!tpu.dma_semaphore, #tpu.memory_space<semaphore_mem>>)
      %dma_wait3A = tpu.memref_slice %arg3[%mul3A_2] : memref<204800xi32, #tpu.memory_space<hbm>> -> memref<6400xi32, #tpu.memory_space<hbm>>
      %dma_wait3A_16 = tpu.memref_slice %arg3[%mul3A_2] : memref<204800xi32, #tpu.memory_space<hbm>> -> memref<6400xi32, #tpu.memory_space<hbm>>
      tpu.wait_dma2 semaphore(%run_scoped3A : memref<!tpu.dma_semaphore, #tpu.memory_space<semaphore_mem>>) src(%dma_wait3A_16 : memref<6400xi32, #tpu.memory_space<hbm>>) dst(%arg6 : memref<6400xi32, #tpu.memory_space<vmem>>)
      tpu.yield
    }) : () -> ()
    %barrier3A = arith.constant 0 : index
    tpu.barrier barrier_id(%barrier3A)
    %dma_start3A = arith.constant 0 : i32
    %dma_start3A_5 = tpu.memref_slice %arg6[%dma_start3A] : memref<6400xi32, #tpu.memory_space<vmem>> -> memref<320xi32, #tpu.memory_space<vmem>>
    %dma_start3A_6 = arith.constant 0 : i32
    %dma_start3A_7 = arith.constant 0 : i32
    %dma_start3A_8 = tpu.memref_slice %arg5[%dma_start3A_6, %dma_start3A_7] : memref<1001x64xf32, #tpu.memory_space<vmem_shared>> -> memref<1001x64xf32, #tpu.memory_space<vmem_shared>>
    tpu.enqueue_indirect_dma source(%dma_start3A_8 : memref<1001x64xf32, #tpu.memory_space<vmem_shared>>) target(%arg7 : memref<320x64xf32, #tpu.memory_space<vmem>>) offsets(%dma_start3A_5 : memref<320xi32, #tpu.memory_space<vmem>>) semaphore(%arg9 : memref<!tpu.dma_semaphore, #tpu.memory_space<semaphore_mem>>)
    %scan3A = arith.constant 0 : i32
    %scan3A_9 = arith.constant 0 : i32
    %scan3A_10 = arith.constant 10 : i32
    %scan3A_11 = arith.addi %scan3A_9, %scan3A_10 : i32
    %scan3A_12 = arith.constant 1 : i32
    scf.for %scan3A_14 = %scan3A_9 to %scan3A_11 step %scan3A_12  : i32 {
      %mul3A_15 = arith.constant 2 : i32
      %mul3A_16 = arith.muli %mul3A_15, %scan3A_14 : i32
      %add3A_17 = arith.constant 1 : i32
      %add3A_18 = arith.addi %mul3A_16, %add3A_17 : i32
      %mul3A_19 = arith.constant 320 : i32
      %mul3A_20 = arith.muli %add3A_18, %mul3A_19 : i32
      %dma_start3A_21 = tpu.memref_slice %arg6[%mul3A_20] : memref<6400xi32, #tpu.memory_space<vmem>> -> memref<320xi32, #tpu.memory_space<vmem>>
      %dma_start3A_22 = arith.constant 0 : i32
      %dma_start3A_23 = arith.constant 0 : i32
      %dma_start3A_24 = tpu.memref_slice %arg5[%dma_start3A_22, %dma_start3A_23] : memref<1001x64xf32, #tpu.memory_space<vmem_shared>> -> memref<1001x64xf32, #tpu.memory_space<vmem_shared>>
      tpu.enqueue_indirect_dma source(%dma_start3A_24 : memref<1001x64xf32, #tpu.memory_space<vmem_shared>>) target(%arg8 : memref<320x64xf32, #tpu.memory_space<vmem>>) offsets(%dma_start3A_21 : memref<320xi32, #tpu.memory_space<vmem>>) semaphore(%arg10 : memref<!tpu.dma_semaphore, #tpu.memory_space<semaphore_mem>>)
      %mul3A_25 = arith.constant 320 : i32
      %mul3A_26 = arith.muli %mul3A_16, %mul3A_25 : i32
      %dma_wait3A = tpu.memref_slice %arg6[%mul3A_26] : memref<6400xi32, #tpu.memory_space<vmem>> -> memref<320xi32, #tpu.memory_space<vmem>>
      %dma_wait3A_27 = arith.constant 0 : i32
      %dma_wait3A_28 = arith.constant 0 : i32
      %dma_wait3A_29 = tpu.memref_slice %arg5[%dma_wait3A_27, %dma_wait3A_28] : memref<1001x64xf32, #tpu.memory_space<vmem_shared>> -> memref<1001x64xf32, #tpu.memory_space<vmem_shared>>
      tpu.wait_indirect_dma semaphore(%arg9 : memref<!tpu.dma_semaphore, #tpu.memory_space<semaphore_mem>>) src(%dma_wait3A_29 : memref<1001x64xf32, #tpu.memory_space<vmem_shared>>) dst(%arg7 : memref<320x64xf32, #tpu.memory_space<vmem>>)
      %mul3A_30 = arith.constant 320 : i32
      %mul3A_31 = arith.muli %mul3A_16, %mul3A_30 : i32
      %add3A_32 = arith.addi %mul3A_2, %mul3A_31 : i32
      "tpu.region"() ({
        %run_scoped3A = tpu.sem_alloc : memref<!tpu.dma_semaphore, #tpu.memory_space<semaphore_mem>>
        %dma_start3A_50 = arith.constant 0 : i32
        %dma_start3A_51 = tpu.memref_slice %arg4[%add3A_32, %dma_start3A_50] : memref<204800x64xf32, #tpu.memory_space<hbm>> -> memref<320x64xf32, #tpu.memory_space<hbm>>
        %dma_start3A_52 = arith.constant 0 : i32
        %dma_start3A_53 = tpu.memref_slice %arg4[%add3A_32, %dma_start3A_52] : memref<204800x64xf32, #tpu.memory_space<hbm>> -> memref<320x64xf32, #tpu.memory_space<hbm>>
        tpu.enqueue_dma source(%arg7 : memref<320x64xf32, #tpu.memory_space<vmem>>) target(%dma_start3A_53 : memref<320x64xf32, #tpu.memory_space<hbm>>) target_semaphore(%run_scoped3A : memref<!tpu.dma_semaphore, #tpu.memory_space<semaphore_mem>>)
        %dma_wait3A_54 = arith.constant 0 : i32
        %dma_wait3A_55 = tpu.memref_slice %arg4[%add3A_32, %dma_wait3A_54] : memref<204800x64xf32, #tpu.memory_space<hbm>> -> memref<320x64xf32, #tpu.memory_space<hbm>>
        %dma_wait3A_56 = arith.constant 0 : i32
        %dma_wait3A_57 = tpu.memref_slice %arg4[%add3A_32, %dma_wait3A_56] : memref<204800x64xf32, #tpu.memory_space<hbm>> -> memref<320x64xf32, #tpu.memory_space<hbm>>
        tpu.wait_dma2 semaphore(%run_scoped3A : memref<!tpu.dma_semaphore, #tpu.memory_space<semaphore_mem>>) src(%arg7 : memref<320x64xf32, #tpu.memory_space<vmem>>) dst(%dma_wait3A_57 : memref<320x64xf32, #tpu.memory_space<hbm>>)
        tpu.yield
      }) : () -> ()
      %add3A_33 = arith.constant 2 : i32
      %add3A_34 = arith.addi %mul3A_16, %add3A_33 : i32
      %lt3A = arith.constant 20 : i32
      %lt3A_35 = arith.cmpi slt, %add3A_34, %lt3A : i32
      %convert_element_type3A_36 = arith.extui %lt3A_35 : i1 to i32
      %cond3A_37 = arith.constant 0 : i32
      %cond3A_38 = arith.cmpi ne, %convert_element_type3A_36, %cond3A_37 : i32
      scf.if %cond3A_38 {
        %add3A_50 = arith.constant 2 : i32
        %add3A_51 = arith.addi %mul3A_16, %add3A_50 : i32
        %mul3A_52 = arith.constant 320 : i32
        %mul3A_53 = arith.muli %add3A_51, %mul3A_52 : i32
        %dma_start3A_54 = tpu.memref_slice %arg6[%mul3A_53] : memref<6400xi32, #tpu.memory_space<vmem>> -> memref<320xi32, #tpu.memory_space<vmem>>
        %dma_start3A_55 = arith.constant 0 : i32
        %dma_start3A_56 = arith.constant 0 : i32
        %dma_start3A_57 = tpu.memref_slice %arg5[%dma_start3A_55, %dma_start3A_56] : memref<1001x64xf32, #tpu.memory_space<vmem_shared>> -> memref<1001x64xf32, #tpu.memory_space<vmem_shared>>
        tpu.enqueue_indirect_dma source(%dma_start3A_57 : memref<1001x64xf32, #tpu.memory_space<vmem_shared>>) target(%arg7 : memref<320x64xf32, #tpu.memory_space<vmem>>) offsets(%dma_start3A_54 : memref<320xi32, #tpu.memory_space<vmem>>) semaphore(%arg9 : memref<!tpu.dma_semaphore, #tpu.memory_space<semaphore_mem>>)
      } else {
      }
      %add3A_39 = arith.constant 1 : i32
      %add3A_40 = arith.addi %mul3A_16, %add3A_39 : i32
      %mul3A_41 = arith.constant 320 : i32
      %mul3A_42 = arith.muli %add3A_40, %mul3A_41 : i32
      %dma_wait3A_43 = tpu.memref_slice %arg6[%mul3A_42] : memref<6400xi32, #tpu.memory_space<vmem>> -> memref<320xi32, #tpu.memory_space<vmem>>
      %dma_wait3A_44 = arith.constant 0 : i32
      %dma_wait3A_45 = arith.constant 0 : i32
      %dma_wait3A_46 = tpu.memref_slice %arg5[%dma_wait3A_44, %dma_wait3A_45] : memref<1001x64xf32, #tpu.memory_space<vmem_shared>> -> memref<1001x64xf32, #tpu.memory_space<vmem_shared>>
      tpu.wait_indirect_dma semaphore(%arg10 : memref<!tpu.dma_semaphore, #tpu.memory_space<semaphore_mem>>) src(%dma_wait3A_46 : memref<1001x64xf32, #tpu.memory_space<vmem_shared>>) dst(%arg8 : memref<320x64xf32, #tpu.memory_space<vmem>>)
      %mul3A_47 = arith.constant 320 : i32
      %mul3A_48 = arith.muli %add3A_40, %mul3A_47 : i32
      %add3A_49 = arith.addi %mul3A_2, %mul3A_48 : i32
      "tpu.region"() ({
        %run_scoped3A = tpu.sem_alloc : memref<!tpu.dma_semaphore, #tpu.memory_space<semaphore_mem>>
        %dma_start3A_50 = arith.constant 0 : i32
        %dma_start3A_51 = tpu.memref_slice %arg4[%add3A_49, %dma_start3A_50] : memref<204800x64xf32, #tpu.memory_space<hbm>> -> memref<320x64xf32, #tpu.memory_space<hbm>>
        %dma_start3A_52 = arith.constant 0 : i32
        %dma_start3A_53 = tpu.memref_slice %arg4[%add3A_49, %dma_start3A_52] : memref<204800x64xf32, #tpu.memory_space<hbm>> -> memref<320x64xf32, #tpu.memory_space<hbm>>
        tpu.enqueue_dma source(%arg8 : memref<320x64xf32, #tpu.memory_space<vmem>>) target(%dma_start3A_53 : memref<320x64xf32, #tpu.memory_space<hbm>>) target_semaphore(%run_scoped3A : memref<!tpu.dma_semaphore, #tpu.memory_space<semaphore_mem>>)
        %dma_wait3A_54 = arith.constant 0 : i32
        %dma_wait3A_55 = tpu.memref_slice %arg4[%add3A_49, %dma_wait3A_54] : memref<204800x64xf32, #tpu.memory_space<hbm>> -> memref<320x64xf32, #tpu.memory_space<hbm>>
        %dma_wait3A_56 = arith.constant 0 : i32
        %dma_wait3A_57 = tpu.memref_slice %arg4[%add3A_49, %dma_wait3A_56] : memref<204800x64xf32, #tpu.memory_space<hbm>> -> memref<320x64xf32, #tpu.memory_space<hbm>>
        tpu.wait_dma2 semaphore(%run_scoped3A : memref<!tpu.dma_semaphore, #tpu.memory_space<semaphore_mem>>) src(%arg8 : memref<320x64xf32, #tpu.memory_space<vmem>>) dst(%dma_wait3A_57 : memref<320x64xf32, #tpu.memory_space<hbm>>)
        tpu.yield
      }) : () -> ()
    }
    %scan3A_13 = arith.constant 10 : i32
    return
  }
}

module attributes {stable_mosaic.version = 14 : i64} {
  func.func @_ln_table_body(%arg0: memref<1001x64xf32, #tpu.memory_space<vmem>>, %arg1: memref<1x64xf32, #tpu.memory_space<vmem>>, %arg2: memref<1x64xf32, #tpu.memory_space<vmem>>, %arg3: memref<1001x64xf32, #tpu.memory_space<vmem>>) attributes {dimension_semantics = [], scalar_prefetch = 0 : i64, scratch_operands = 0 : i64, tpu.core_type = #tpu.core_type<tc>} {
    %get3A = arith.constant 0 : index
    %get3A_0 = arith.constant 0 : index
    %get3A_1 = vector.load %arg0[%get3A, %get3A_0] : memref<1001x64xf32, #tpu.memory_space<vmem>>, vector<1001x64xf32>
    %reduce_sum3A = arith.constant dense<0.000000e+00> : vector<1001xf32>
    %reduce_sum3A_2 = vector.multi_reduction <add>, %get3A_1, %reduce_sum3A [1] : vector<1001x64xf32> to vector<1001xf32>
    %broadcast_in_dim3A = vector.shape_cast %reduce_sum3A_2 : vector<1001xf32> to vector<1001x1xf32>
    %div3A = arith.constant 6.400000e+01 : f32
    %div3A_3 = vector.broadcast %div3A : f32 to vector<1001x1xf32>
    %div3A_4 = arith.divf %broadcast_in_dim3A, %div3A_3 : vector<1001x1xf32>
    %sub3A = vector.broadcast %div3A_4 : vector<1001x1xf32> to vector<1001x64xf32>
    %sub3A_5 = arith.subf %get3A_1, %sub3A : vector<1001x64xf32>
    %integer_pow3A = arith.mulf %sub3A_5, %sub3A_5 : vector<1001x64xf32>
    %reduce_sum3A_6 = arith.constant dense<0.000000e+00> : vector<1001xf32>
    %reduce_sum3A_7 = vector.multi_reduction <add>, %integer_pow3A, %reduce_sum3A_6 [1] : vector<1001x64xf32> to vector<1001xf32>
    %broadcast_in_dim3A_8 = vector.shape_cast %reduce_sum3A_7 : vector<1001xf32> to vector<1001x1xf32>
    %div3A_9 = arith.constant 6.400000e+01 : f32
    %div3A_10 = vector.broadcast %div3A_9 : f32 to vector<1001x1xf32>
    %div3A_11 = arith.divf %broadcast_in_dim3A_8, %div3A_10 : vector<1001x1xf32>
    %sub3A_12 = vector.broadcast %div3A_4 : vector<1001x1xf32> to vector<1001x64xf32>
    %sub3A_13 = arith.subf %get3A_1, %sub3A_12 : vector<1001x64xf32>
    %add3A = arith.constant 9.99999974E-6 : f32
    %add3A_14 = vector.broadcast %add3A : f32 to vector<1001x1xf32>
    %add3A_15 = arith.addf %div3A_11, %add3A_14 : vector<1001x1xf32>
    %rsqrt3A = math.rsqrt %add3A_15 : vector<1001x1xf32>
    %mul3A = vector.broadcast %rsqrt3A : vector<1001x1xf32> to vector<1001x64xf32>
    %mul3A_16 = arith.mulf %sub3A_13, %mul3A : vector<1001x64xf32>
    %get3A_17 = arith.constant 0 : index
    %get3A_18 = arith.constant 0 : index
    %get3A_19 = vector.load %arg1[%get3A_17, %get3A_18] : memref<1x64xf32, #tpu.memory_space<vmem>>, vector<1x64xf32>
    %mul3A_20 = vector.broadcast %get3A_19 : vector<1x64xf32> to vector<1001x64xf32>
    %mul3A_21 = arith.mulf %mul3A_16, %mul3A_20 : vector<1001x64xf32>
    %get3A_22 = arith.constant 0 : index
    %get3A_23 = arith.constant 0 : index
    %get3A_24 = vector.load %arg2[%get3A_22, %get3A_23] : memref<1x64xf32, #tpu.memory_space<vmem>>, vector<1x64xf32>
    %add3A_25 = vector.broadcast %get3A_24 : vector<1x64xf32> to vector<1001x64xf32>
    %add3A_26 = arith.addf %mul3A_21, %add3A_25 : vector<1001x64xf32>
    %swap3A = arith.constant 0 : index
    %swap3A_27 = arith.constant 0 : index
    %swap3A_28 = vector.load %arg3[%swap3A, %swap3A_27] : memref<1001x64xf32, #tpu.memory_space<vmem>>, vector<1001x64xf32>
    tpu.vector_store %arg3[%swap3A, %swap3A_27], %add3A_26 {strides = array<i32>} : memref<1001x64xf32, #tpu.memory_space<vmem>>, vector<1001x64xf32>,
    return
  }
}

module attributes {stable_mosaic.version = 14 : i64} {
  func.func @_lstm_body(%arg0: i32, %arg1: memref<1x2048x128xf32, #tpu.memory_space<vmem>>, %arg2: memref<512x256xf32, #tpu.memory_space<vmem>>, %arg3: memref<512x1xf32, #tpu.memory_space<vmem>>, %arg4: memref<128x20xf32, #tpu.memory_space<vmem>>, %arg5: memref<1x20xf32, #tpu.memory_space<vmem>>, %arg6: memref<2048x20xf32, #tpu.memory_space<vmem>>, %arg7: memref<128x2048xf32, #tpu.memory_space<vmem>>, %arg8: memref<128x2048xf32, #tpu.memory_space<vmem>>) attributes {dimension_semantics = [#tpu.dimension_semantics<arbitrary>], iteration_bounds = array<i64: 50>, scalar_prefetch = 0 : i64, scratch_operands = 2 : i64, tpu.core_type = #tpu.core_type<tc>, window_params = [{transform_indices = @transform_0, window_bounds = array<i64: 1, 2048, 128>}, {pipeline_mode = #tpu.pipeline_mode<synchronous>, transform_indices = @transform_1, window_bounds = array<i64: 512, 256>}, {pipeline_mode = #tpu.pipeline_mode<synchronous>, transform_indices = @transform_2, window_bounds = array<i64: 512, 1>}, {pipeline_mode = #tpu.pipeline_mode<synchronous>, transform_indices = @transform_3, window_bounds = array<i64: 128, 20>}, {pipeline_mode = #tpu.pipeline_mode<synchronous>, transform_indices = @transform_4, window_bounds = array<i64: 1, 20>}, {pipeline_mode = #tpu.pipeline_mode<synchronous>, transform_indices = @transform_5, window_bounds = array<i64: 2048, 20>}]} {
    %gt3A = arith.constant 0 : i32
    %gt3A_0 = arith.cmpi sgt, %arg0, %gt3A : i32
    %get3A = arith.constant 0 : index
    %get3A_1 = arith.constant 0 : index
    %get3A_2 = arith.constant 0 : index
    %get3A_3 = vector.load %arg1[%get3A, %get3A_1, %get3A_2] : memref<1x2048x128xf32, #tpu.memory_space<vmem>>, vector<1x2048x128xf32>
    %get3A_4 = vector.shape_cast %get3A_3 : vector<1x2048x128xf32> to vector<2048x128xf32>
    %transpose3A = tpu.transpose %get3A_4, [1, 0] : vector<2048x128xf32> -> vector<128x2048xf32>
    %get3A_5 = arith.constant 0 : index
    %get3A_6 = arith.constant 0 : index
    %get3A_7 = vector.load %arg7[%get3A_5, %get3A_6] : memref<128x2048xf32, #tpu.memory_space<vmem>>, vector<128x2048xf32>
    %jit3A = arith.constant 0.000000e+00 : f32
    %broadcast_in_dim3A = vector.broadcast %jit3A : f32 to vector<128x2048xf32>
    %select_n3A = arith.select %gt3A_0, %get3A_7, %broadcast_in_dim3A : vector<128x2048xf32>
    %get3A_8 = arith.constant 0 : index
    %get3A_9 = arith.constant 0 : index
    %get3A_10 = vector.load %arg8[%get3A_8, %get3A_9] : memref<128x2048xf32, #tpu.memory_space<vmem>>, vector<128x2048xf32>
    %jit3A_11 = arith.constant 0.000000e+00 : f32
    %broadcast_in_dim3A_12 = vector.broadcast %jit3A_11 : f32 to vector<128x2048xf32>
    %select_n3A_13 = arith.select %gt3A_0, %get3A_10, %broadcast_in_dim3A_12 : vector<128x2048xf32>
    %concatenate3A = tpu.concatenate %transpose3A, %select_n3A in 0 : vector<128x2048xf32>, vector<128x2048xf32> -> vector<256x2048xf32>
    %get3A_14 = arith.constant 0 : index
    %get3A_15 = arith.constant 0 : index
    %get3A_16 = vector.load %arg2[%get3A_14, %get3A_15] : memref<512x256xf32, #tpu.memory_space<vmem>>, vector<512x256xf32>
    %dot_general3A = arith.constant dense<0.000000e+00> : vector<512x2048xf32>
    %dot_general3A_17 = tpu.matmul %get3A_16, %concatenate3A, %dot_general3A {dimension_numbers = #tpu.dot_dimension_numbers<[1], [0], [0], [1], [0, 0, 1, 1], [], []>, transpose_lhs_hint = false} : vector<512x256xf32>, vector<256x2048xf32>, vector<512x2048xf32> -> vector<512x2048xf32>
    %get3A_18 = arith.constant 0 : index
    %get3A_19 = arith.constant 0 : index
    %get3A_20 = vector.load %arg3[%get3A_18, %get3A_19] : memref<512x1xf32, #tpu.memory_space<vmem>>, vector<512x1xf32>
    %add3A = vector.broadcast %get3A_20 : vector<512x1xf32> to vector<512x2048xf32>
    %add3A_21 = arith.addf %dot_general3A_17, %add3A : vector<512x2048xf32>
    %slice3A = vector.extract_strided_slice %add3A_21 {offsets = [0, 0], sizes = [128, 2048], strides = [1, 1]} : vector<512x2048xf32> to vector<128x2048xf32>
    %tanh3A = math.tanh %slice3A : vector<128x2048xf32>
    %mul3A = arith.constant 5.000000e-01 : f32
    %mul3A_22 = vector.broadcast %mul3A : f32 to vector<128x2048xf32>
    %mul3A_23 = arith.mulf %mul3A_22, %tanh3A : vector<128x2048xf32>
    %add3A_24 = arith.constant 5.000000e-01 : f32
    %add3A_25 = vector.broadcast %add3A_24 : f32 to vector<128x2048xf32>
    %add3A_26 = arith.addf %mul3A_23, %add3A_25 : vector<128x2048xf32>
    %slice3A_27 = vector.extract_strided_slice %add3A_21 {offsets = [128, 0], sizes = [128, 2048], strides = [1, 1]} : vector<512x2048xf32> to vector<128x2048xf32>
    %tanh3A_28 = math.tanh %slice3A_27 : vector<128x2048xf32>
    %mul3A_29 = arith.constant 5.000000e-01 : f32
    %mul3A_30 = vector.broadcast %mul3A_29 : f32 to vector<128x2048xf32>
    %mul3A_31 = arith.mulf %mul3A_30, %tanh3A_28 : vector<128x2048xf32>
    %add3A_32 = arith.constant 5.000000e-01 : f32
    %add3A_33 = vector.broadcast %add3A_32 : f32 to vector<128x2048xf32>
    %add3A_34 = arith.addf %mul3A_31, %add3A_33 : vector<128x2048xf32>
    %slice3A_35 = vector.extract_strided_slice %add3A_21 {offsets = [256, 0], sizes = [128, 2048], strides = [1, 1]} : vector<512x2048xf32> to vector<128x2048xf32>
    %tanh3A_36 = math.tanh %slice3A_35 : vector<128x2048xf32>
    %slice3A_37 = vector.extract_strided_slice %add3A_21 {offsets = [384, 0], sizes = [128, 2048], strides = [1, 1]} : vector<512x2048xf32> to vector<128x2048xf32>
    %tanh3A_38 = math.tanh %slice3A_37 : vector<128x2048xf32>
    %mul3A_39 = arith.constant 5.000000e-01 : f32
    %mul3A_40 = vector.broadcast %mul3A_39 : f32 to vector<128x2048xf32>
    %mul3A_41 = arith.mulf %mul3A_40, %tanh3A_38 : vector<128x2048xf32>
    %add3A_42 = arith.constant 5.000000e-01 : f32
    %add3A_43 = vector.broadcast %add3A_42 : f32 to vector<128x2048xf32>
    %add3A_44 = arith.addf %mul3A_41, %add3A_43 : vector<128x2048xf32>
    %mul3A_45 = arith.mulf %add3A_34, %select_n3A_13 : vector<128x2048xf32>
    %mul3A_46 = arith.mulf %add3A_26, %tanh3A_36 : vector<128x2048xf32>
    %add3A_47 = arith.addf %mul3A_45, %mul3A_46 : vector<128x2048xf32>
    %tanh3A_48 = math.tanh %add3A_47 : vector<128x2048xf32>
    %mul3A_49 = arith.mulf %add3A_44, %tanh3A_48 : vector<128x2048xf32>
    %swap3A = arith.constant 0 : index
    %swap3A_50 = arith.constant 0 : index
    %swap3A_51 = vector.load %arg7[%swap3A, %swap3A_50] : memref<128x2048xf32, #tpu.memory_space<vmem>>, vector<128x2048xf32>
    tpu.vector_store %arg7[%swap3A, %swap3A_50], %mul3A_49 {strides = array<i32>} : memref<128x2048xf32, #tpu.memory_space<vmem>>, vector<128x2048xf32>,
    %swap3A_52 = arith.constant 0 : index
    %swap3A_53 = arith.constant 0 : index
    %swap3A_54 = vector.load %arg8[%swap3A_52, %swap3A_53] : memref<128x2048xf32, #tpu.memory_space<vmem>>, vector<128x2048xf32>
    tpu.vector_store %arg8[%swap3A_52, %swap3A_53], %add3A_47 {strides = array<i32>} : memref<128x2048xf32, #tpu.memory_space<vmem>>, vector<128x2048xf32>,
    %eq3A = arith.constant 49 : i32
    %eq3A_55 = arith.cmpi eq, %arg0, %eq3A : i32
    %convert_element_type3A = arith.extui %eq3A_55 : i1 to i32
    %cond3A = arith.constant 0 : i32
    %cond3A_56 = arith.cmpi ne, %convert_element_type3A, %cond3A : i32
    scf.if %cond3A_56 {
      %get3A_57 = arith.constant 0 : index
      %get3A_58 = arith.constant 0 : index
      %get3A_59 = vector.load %arg4[%get3A_57, %get3A_58] : memref<128x20xf32, #tpu.memory_space<vmem>>, vector<128x20xf32>
      %dot_general3A_60 = arith.constant dense<0.000000e+00> : vector<2048x20xf32>
      %dot_general3A_61 = tpu.matmul %mul3A_49, %get3A_59, %dot_general3A_60 {dimension_numbers = #tpu.dot_dimension_numbers<[0], [0], [1], [1], [0, 1, 1, 1], [], []>, transpose_lhs_hint = false} : vector<128x2048xf32>, vector<128x20xf32>, vector<2048x20xf32> -> vector<2048x20xf32>
      %get3A_62 = arith.constant 0 : index
      %get3A_63 = arith.constant 0 : index
      %get3A_64 = vector.load %arg5[%get3A_62, %get3A_63] : memref<1x20xf32, #tpu.memory_space<vmem>>, vector<1x20xf32>
      %add3A_65 = vector.broadcast %get3A_64 : vector<1x20xf32> to vector<2048x20xf32>
      %add3A_66 = arith.addf %dot_general3A_61, %add3A_65 : vector<2048x20xf32>
      %swap3A_67 = arith.constant 0 : index
      %swap3A_68 = arith.constant 0 : index
      %swap3A_69 = vector.load %arg6[%swap3A_67, %swap3A_68] : memref<2048x20xf32, #tpu.memory_space<vmem>>, vector<2048x20xf32>
      tpu.vector_store %arg6[%swap3A_67, %swap3A_68], %add3A_66 {strides = array<i32>} : memref<2048x20xf32, #tpu.memory_space<vmem>>, vector<2048x20xf32>,
    } else {
    }
    return
  }
  func.func @transform_0(%arg0: i32) -> (i32, i32, i32) {
    %c0_i32 = arith.constant 0 : i32
    %c0_i32_0 = arith.constant 0 : i32
    %c0_i32_1 = arith.constant 0 : i32
    return %arg0, %c0_i32, %c0_i32_0 : i32, i32, i32
  }
  func.func @transform_1(%arg0: i32) -> (i32, i32) {
    %c0_i32 = arith.constant 0 : i32
    %c0_i32_0 = arith.constant 0 : i32
    %c0_i32_1 = arith.constant 0 : i32
    return %c0_i32, %c0_i32_0 : i32, i32
  }
  func.func @transform_2(%arg0: i32) -> (i32, i32) {
    %c0_i32 = arith.constant 0 : i32
    %c0_i32_0 = arith.constant 0 : i32
    %c0_i32_1 = arith.constant 0 : i32
    return %c0_i32, %c0_i32_0 : i32, i32
  }
  func.func @transform_3(%arg0: i32) -> (i32, i32) {
    %c0_i32 = arith.constant 0 : i32
    %c0_i32_0 = arith.constant 0 : i32
    %c0_i32_1 = arith.constant 0 : i32
    return %c0_i32, %c0_i32_0 : i32, i32
  }
  func.func @transform_4(%arg0: i32) -> (i32, i32) {
    %c0_i32 = arith.constant 0 : i32
    %c0_i32_0 = arith.constant 0 : i32
    %c0_i32_1 = arith.constant 0 : i32
    return %c0_i32, %c0_i32_0 : i32, i32
  }
  func.func @transform_5(%arg0: i32) -> (i32, i32) {
    %c0_i32 = arith.constant 0 : i32
    %c0_i32_0 = arith.constant 0 : i32
    %c0_i32_1 = arith.constant 0 : i32
    return %c0_i32, %c0_i32_0 : i32, i32
  }
}

</mosaic_0001>

<sc_bundles>
// kernel: kernel.5.cloned.1.call-start
scs
__scs_entry_jumppad:
0x0: {  	(pc) =	sbr.rel $0x88, $3  }
0x1: {  	(tag) =	ssettag $0x0;
	lr =	simm.s32 $0x1  }
0x2: {  	[smem:$0x3F97] =	sst lr;
	_ =	strace $0xD0000000  }
0x3: {  	_ = 	snop  }
0x4: {  	_ = 	snop  }
0x5: {  	_ = 	snop  }
0x6: {  	_ = 	snop  }
0x7: {  	_ = 	snop  }
__scs_overlays_trampoline_lowered:
0x8: {  	[smem:$0x3FA6] =	sst s0  }
0x9: {  	[smem:$0x3FA7] =	sst s1  }
0xa: {  	[smem:$0x3FA8] =	sst s2  }
0xb: {  	[smem:$0x3FA9] =	sst s3  }
0xc: {  	[smem:$0x3FAA] =	sst s4  }
0xd: {  	[smem:$0x3FAB] =	sst s5  }
0xe: {  	[smem:$0x3FAC] =	sst s6  }
0xf: {  	[smem:$0x3FAD] =	sst s7  }
0x10: {  	[smem:$0x3FAE] =	sst s8  }
0x11: {  	[smem:$0x3FAF] =	sst s9;
	s0 =	simm.s32 @!p0 $0x0  }
0x12: {  	s1 =	sld [smem:$0x3F95];
	s0 =	simm.s32 @p0 $0x1  }
0x13: {  	[smem:$0x3FB0] =	sst s0;
	s0 =	simm.s32 @!p1 $0x0  }
0x14: {  	s2 =	sld [smem:$0x3F94];
	s0 =	simm.s32 @p1 $0x1  }
0x15: {  	[smem:$0x3FB1] =	sst s0;
	s0 =	simm.s32 @!p2 $0x0  }
0x16: {  	s3 =	sld [smem:$0x3FDB];
	s0 =	simm.s32 @p2 $0x1  }
0x17: {  	s4 =	simm.s32 $0x1BF5;
	[smem:$0x3FB3] =	sst s0  }
0x18: {  	s0 =	sld [smem:$0x3F96];
	_ =	swait.ge [sflag:s4], $0x0  }
0x19: {  	s7 =	sld [smem:$0x3F97]  }
0x1a: {  	s8 =	sadd.s32 $0xFFFFE003, lr  }
0x1b: {  	s9 =	sadd.s32 $0xFFFFFEF7, lr;
	s5 =	simm.s32 $0xFFFFFFFF;
	p2 =	slt.u32 s8, $0xFFFFF086  }
0x1c: {  	p1 =	slt.u32 s9, $0xF7A;
	s5 =	simm.s32 @!p2 $0x0  }
0x1d: {  	s5 =	simm.s32 @p1 $0x1;
	p0 =	seq.s32 s7, s2  }
0x1e: {  	s7 =	smul.u32 @!p0 $0xF7A, s2;
	p2 =	seq.s32 @!p0 s5, $0x0  }
0x1f: {  	s9 =	smul.u32 $0xF7A, s1;
	s8 =	simm.s32 @!p0 $0x1BF5;
	p2 =	por !p2, p0  }
0x20: {  	[sflag:s8] =	ssyncset.s32 @!p0 $0xFFFFF086;
	s6 =	sadd.s32 @!p0 s3, s7;
	s7 =	simm.s32 @!p0 $0x108  }
0x21: {  	s3 =	sadd.s32 s3, s9;
	s6 =	sadd.s32 @!p0 $0x88, s6;
	s7 =	simm.s32 @p2 $0x1082  }
0x22: {  	[simem:s7], [sflag:s8] =	dma.local @!p0 [hbm:s6], $0xF7A  }
0x23: {  	s9 =	sor.u32 $0xD0000000, s2;
	s6 =	simm.s32 $0x108;
	_ =	swait.ge @!p0 [sflag:s8], $0x0  }
0x24: {  	s3 =	sadd.s32 $0x88, s3;
	s6 =	simm.s32 @!p1 $0x1082;
	[sflag:s4] =	ssyncset.s32 $0xFFFFF086  }
0x25: {  	[simem:s6], [sflag:s4] =	dma.local [hbm:s3], $0xF7A  }
0x26: {  	[smem:$0x3F97] =	sst s1;
	(tag) =	ssettag s2;
	_ =	strace s9  }
0x27: {  	s1 =	sld [smem:$0x3FA7]  }
0x28: {  	s2 =	sld [smem:$0x3FA8]  }
0x29: {  	s4 =	sld [smem:$0x3FAA]  }
0x2a: {  	p0 =	seq.s32 s5, $0x0;
	s5 =	sld [smem:$0x3FAB]  }
0x2b: {  	s6 =	sld [smem:$0x3FAC]  }
0x2c: {  	s7 =	sld [smem:$0x3FAD]  }
0x2d: {  	s3 =	simm.s32 $0x108;
	s8 =	sld [smem:$0x3FAE]  }
0x2e: {  	s3 =	simm.s32 @!p0 $0x1082;
	s9 =	sld [smem:$0x3FAF]  }
0x2f: {  	lr =	sadd.s32 s0, s3;
	s0 =	sld [smem:$0x3FA6]  }
0x30: {  	s3 =	sld [smem:$0x3FA9]  }
0x31: {  	[smem:$0x3FB2] =	sst s10  }
0x32: {  	s10 =	sld [smem:$0x3FB0];
	_ =	sdelay $0x3  }
0x33: {  	p0 =	seq.s32 s10, $0x1;
	s10 =	sld [smem:$0x3FB2];
	_ =	sdelay $0x3  }
0x34: {  	[smem:$0x3FB2] =	sst s10  }
0x35: {  	s10 =	sld [smem:$0x3FB1];
	_ =	sdelay $0x3  }
0x36: {  	p1 =	seq.s32 s10, $0x1;
	s10 =	sld [smem:$0x3FB2];
	_ =	sdelay $0x3  }
0x37: {  	[smem:$0x3FB2] =	sst s10  }
0x38: {  	s10 =	sld [smem:$0x3FB3]  }
0x39: {  	_ = 	snop;
	(pc) =	sbr.ind lr, $3  }
0x3a: {  	_ = 	snop  }
0x3b: {  	_ = 	snop  }
0x3c: {  	p2 =	seq.s32 s10, $0x1;
	s10 =	sld [smem:$0x3FB2]  }
0x3d: {  	_ =	shalt  }
0x3e: {  	_ =	shalt  }
0x3f: {  	_ =	shalt  }
0x40: {  	_ =	shalt  }
0x41: {  	_ =	shalt  }
0x42: {  	_ =	shalt  }
0x43: {  	_ =	shalt  }
0x44: {  	_ =	shalt  }
0x45: {  	_ =	shalt  }
0x46: {  	_ =	shalt  }
0x47: {  	_ =	shalt  }
0x48: {  	_ =	shalt  }
0x49: {  	_ =	shalt  }
0x4a: {  	_ =	shalt  }
0x4b: {  	_ =	shalt  }
0x4c: {  	_ =	shalt  }
0x4d: {  	_ =	shalt  }
0x4e: {  	_ =	shalt  }
0x4f: {  	_ =	shalt  }
0x50: {  	_ =	shalt  }
0x51: {  	_ =	shalt  }
0x52: {  	_ =	shalt  }
0x53: {  	_ =	shalt  }
0x54: {  	_ =	shalt  }
0x55: {  	_ =	shalt  }
0x56: {  	_ =	shalt  }
0x57: {  	_ =	shalt  }
0x58: {  	_ =	shalt  }
0x59: {  	_ =	shalt  }
0x5a: {  	_ =	shalt  }
0x5b: {  	_ =	shalt  }
0x5c: {  	_ =	shalt  }
0x5d: {  	_ =	shalt  }
0x5e: {  	_ =	shalt  }
0x5f: {  	_ =	shalt  }
0x60: {  	_ =	shalt  }
0x61: {  	_ =	shalt  }
0x62: {  	_ =	shalt  }
0x63: {  	_ =	shalt  }
0x64: {  	_ =	shalt  }
0x65: {  	_ =	shalt  }
0x66: {  	_ =	shalt  }
0x67: {  	_ =	shalt  }
0x68: {  	_ =	shalt  }
0x69: {  	_ =	shalt  }
0x6a: {  	_ =	shalt  }
0x6b: {  	_ =	shalt  }
0x6c: {  	_ =	shalt  }
0x6d: {  	_ =	shalt  }
0x6e: {  	_ =	shalt  }
0x6f: {  	_ =	shalt  }
0x70: {  	_ =	shalt  }
0x71: {  	_ =	shalt  }
0x72: {  	_ =	shalt  }
0x73: {  	_ =	shalt  }
0x74: {  	_ =	shalt  }
0x75: {  	_ =	shalt  }
0x76: {  	_ =	shalt  }
0x77: {  	_ =	shalt  }
0x78: {  	_ =	shalt  }
0x79: {  	_ =	shalt  }
0x7a: {  	_ =	shalt  }
0x7b: {  	_ =	shalt  }
0x7c: {  	_ =	shalt  }
0x7d: {  	_ =	shalt  }
0x7e: {  	_ =	shalt  }
0x7f: {  	_ =	shalt  }
0x80: {  	_ =	shalt  }
0x81: {  	_ =	shalt  }
0x82: {  	_ =	shalt  }
0x83: {  	_ =	shalt  }
0x84: {  	_ =	shalt  }
0x85: {  	_ =	shalt  }
0x86: {  	_ =	shalt  }
0x87: {  	_ =	shalt  }
.Lfunc_end0:
.L_simem_size_0:
called_computation_lowered:
.L_overlay_start_0:
0x88: {  	s2 =	sld [smem:$0x3FD9]  }
0x89: {  	s3 =	sld [smem:$0x3FFE];
	_ =	sdelay $0x1  }
0x8a: {  	s1 =	srdreg.scid  }
0x8b: {  	s0 =	sand.u32 $0x1, s1  }
0x8c: {  	s17 =	sshll.u32 s0, $0xA;
	s2 =	sadd.s32 s3, s2  }
0x8d: {  	s2 =	sadd.s32 s2, s17  }
0x8e: {  	[smem:$0x3FBE] =	sst s2  }
0x8f: {  	_ = 	snop  }
0x90: {  	s2 =	sld [smem:$0x3FD0];
	(tm) =	ssettm $0x1  }
0x91: {  	s18 =	sld [smem:$0x3FFB];
	_ =	sdelay $0x3  }
0x92: {  	_ =	strace s18  }
0x93: {  	s3 =	sld [smem:$0x3FFC];
	_ =	sdelay $0x3  }
0x94: {  	_ =	strace s3  }
0x95: {  	s3 =	sld [smem:$0x3FFD];
	_ =	sdelay $0x3  }
0x96: {  	_ =	strace s3  }
0x97: {  	_ =	strace $0x8FFFFFFF  }
0x98: {  	s19 =	sld [smem:$0x3FDB];
	_ =	sdelay $0x1  }
0x99: {  	s4 =	simm.s32 $_scs_section_size  }
0x9a: {  	s5 =	simm.s32 $_size__tile_overlayer_lowered;
	s6 =	simm.s32 $_tile_overlayer_lowered  }
0x9b: {  	s22 =	simm.s32 $0x1BFF;
	s21 =	sshll.u32 s6, $0x1;
	s3 =	sadd.s32 s4, s19  }
0x9c: {  	s7 =	simm.s32 $0x0;
	s20 =	sshll.u32 s5, $0x1;
	s5 =	sadd.s32 s21, s3  }
0x9d: {  	[timem:s7], [sflag:s22] =	dma.local [hbm:s5], s20  }
0x9e: {  	_ =	swait.ge [sflag:s22], s20  }
0x9f: {  	s4 =	ssub.s32 $0x0, s20;
	[sflag:s22] =	ssyncset.done $0x0  }
0xa0: {  	[sflag:s22] =	ssyncadd.s32 s4;
	_ =	sdelay $0x1  }
0xa1: {  	s23 =	simm.s32 $0x1B8B  }
0xa2: {  	_ =	swait.ge [sflag:s23], $0x1  }
0xa3: {  	[sflag:s23] =	ssyncset.done $0x0  }
0xa4: {  	s25 =	simm.s32 $0x1B8E;
	s24 =	sld [smem:$0x3FFE];
	[sflag:s23] =	ssyncadd.s32 $0xFFFFFFFF  }
0xa5: {  	s26 =	simm.s32 $execute0_lowered;
	[smem:$0x3FD2] =	sst s25  }
0xa6: {  	s5 =	sshll.u32 s26, $0x1;
	_ =	strace $0x80000046;
	[dreg:$0x1] =	wrdreg $0xFFFFFFFF  }
0xa7: {  	s28 =	simm.s32 $_size_execute0_lowered;
	s3 =	sadd.s32 s3, s5;
	[dreg:$0x0] =	wrdreg $0x0  }
0xa8: {  	s5 =	sshll.u32 s28, $0x1;
	[dreg:$0x2] =	wrdreg s3  }
0xa9: {  	[dreg:$0x3] =	wrdreg s5  }
0xaa: {  	[dreg:$0x4] =	wrdreg $0xC0  }
0xab: {  	_ =	task [dreg:s7], $0x5FFFF  }
0xac: {  	[dreg:$0x1] =	wrdreg $0xFFFFFFFF  }
0xad: {  	[dreg:$0x0] =	wrdreg $0x60  }
0xae: {  	[dreg:$0x2] =	wrdreg s2  }
0xaf: {  	[dreg:$0x3] =	wrdreg s24  }
0xb0: {  	[dreg:$0x4] =	wrdreg $0x0  }
0xb1: {  	[dreg:$0x5] =	wrdreg $0x9  }
0xb2: {  	_ =	task.clear_ibuf [dreg:s7], $0x6FFFF;
	_ =	strace $0x90000046  }
0xb3: {  	s29 =	simm.s32 $0x9;
	_ =	strace $0x80000048  }
0xb4: {  	_ =	swait.ge [sflag:s29], $0x1  }
0xb5: {  	[sflag:s29] =	ssyncadd.s32 $0xFFFFFFFF  }
0xb6: {  	_ =	strace $0x90000048  }
0xb7: {  	_ =	sfence  }
0xb8: {  	s30 =	sld [smem:$0x0];
	_ =	sdelay $0x2  }
0xb9: {  	s31 =	sshll.u32 s1, $0xD;
	s1 =	sshrl.u32 s1, $0x2  }
0xba: {  	s3 =	sand.u32 $0x4000, s31;
	s1 =	sadd.s32 s1, s30  }
0xbb: {  	s0 =	sor.u32 s3, s0;
	s1 =	sshll.u32 s1, $0x11  }
0xbc: {  	s0 =	sor.u32 s1, s0  }
0xbd: {  	s0 =	sadd.s32 $0x8F2B, s0  }
0xbe: {  	[sflag:s0] =	ssyncadd.remote.s32 $0x1  }
0xbf: {  	_ =	sfence.sel $0xFFFF  }
0xc0: {  	[dreg:$0x0] =	wrdreg $0xFFFFFFFF;
	(pc) =	sbr.abs _section_cstart, $3  }
0xc1: {  	[dreg:$0x1] =	wrdreg $0xFFFFFFFF  }
0xc2: {  	_ =	task.clear_ibuf [dreg:s7], $0x2FFFF;
	_ =	strace $0x9FFFFFFF  }
0xc3: {  	(tm) =	ssettm $0x7FFFFFFF  }
tec
execute0_lowered:
.L_overlay_start_1:
0x0: {  	(tag) =	ssettag $0x1  }
0x1: {  	s0 =	rddreg [dreg:$0x0]  }
0x2: {  	s4 =	rddreg [dreg:$0x1]  }
0x3: {  	s1 =	srdreg.scid;
	s8 =	stileid.u32  }
0x4: {  	s2 =	rddreg [dreg:$0x2];
	s3 =	simm.s32 $0x0;
	s14 =	simm.s32 $0x28A8  }
0x5: {  	s15 =	simm.s32 $0x78A8;
	s16 =	simm.s32 $0x1;
	s17 =	simm.s32 $0x2  }
0x6: {  	s18 =	simm.s32 $0x2768;
	s19 =	simm.s32 $0x0;
	s11 =	smul.u32 $0x3200, s8  }
0x7: {  	s9 =	sand.u32 $0x1, s1;
	s1 =	rddreg [dreg:$0x3];
	s13 =	smul.u32 $0x19000, s8  }
0x8: {  	s5 =	sshll.u32 s8, $0x1;
	[smem:$0x7FF] =	sst s3;
	s29 =	smul.u32 $0x1900, s9  }
0x9: {  	s5 =	sor.u32 s9, s5;
	s7 =	ssub.s32 $0x2, s9;
	s9 =	smul.u32 $0xC800, s9  }
0xa: {  	s12 =	sadd.s32 $0x7E00, s4;
	p0 =	sne.s32 s8, $0x0;
	s6 =	smul.u32 $0x1900, s5  }
0xb: {  	_ =	strace $0x80000047;
	s10 =	smul.u32 $0xC800, s5;
	s28 =	sshrl.u32 s7, $0x1  }
0xc: {  	s31 =	sadd.s32 s13, s12;
	s13 =	simm.s32 $0x140;
	s11 =	sadd.s32 s29, s11  }
0xd: {  	s8 =	sadd.s32 s9, s31;
	s6 =	sshrl.u32 s6, $0x3;
	s10 =	sadd.s32 s12, s10  }
0xe: {  	s30 =	sshll.u32 s11, $0x3;
	s11 =	simm.s32 $0xFA8;
	s26 =	sadd.s32 s6, s4  }
0xf: {  	s6 =	ssub.s32 s7, s28;
	s7 =	sadd.s32 $0xBE00, s10;
	s4 =	sadd.s32 $0x1A00, s26  }
0x10: {  	s5 =	smax.u32 s6, $0x1;
	s6 =	sadd.s32 $0xB400, s10;
	s10 =	sadd.s32 s12, s30  }
0x11: {  	s12 =	simm.s32 $0x3;
	s9 =	sadd.s32 $0xA00, s10;
	s10 =	sshrl.u32 @!p0 s2, $0x3  }
.LBB2_1:
0x12: {  	s20 =	simm.s32 @!p0 $0x1C03  }
0x13: {  	[spmem:s10], [sflag:s20] =	dma.local @!p0 [hbm:s0], $0x1F48  }
0x14: {  	s20 =	simm.s32 @!p0 $0x3  }
0x15: {  	_ =	swait.ge @!p0 [sflag:s20], $0x1F48  }
0x16: {  	[sflag:s20] =	ssyncset.done @!p0 $0x0  }
0x17: {  	[sflag:s20] =	ssyncadd.s32 @!p0 $0xFFFFE0B8  }
0x18: {  	[tilespmem:s11], [sflag:$0x3] =	stream.linear.gather [hbm4b:s4+s3], $0x1900, $0x38;
	[tilespmem:$0xC8A8] =	vst v63  }
0x19: {  	_ =	swait.ge [sflag:s12], $0x1900  }
0x1a: {  	[sflag:s12] =	ssyncset.done $0x0  }
0x1b: {  	[sflag:s12] =	ssyncadd.s32 $0xFFFFE700  }
0x1c: {  	[bflag:$0x0] =	sbarrier.arrive $0xFFFF  }
0x1d: {  	[tilespmem:s14], [sflag:$0x1] =	stream.indirect.gather [spmem:s2], $0x40, s11, s13, $0xb8;
	[tilespmem:$0xC8A8] =	vst v63  }
0x1e: {  	s20 =	simm.s32 $0x10E8  }
0x1f: {  	[tilespmem:s15], [sflag:$0x2] =	stream.indirect.gather [spmem:s2], $0x40, s20, s13, $0xb8;
	[tilespmem:$0xC8A8] =	vst v63  }
0x20: {  	_ =	swait.ge [sflag:s16], $0x5000  }
0x21: {  	[sflag:s16] =	ssyncset.done $0x0  }
0x22: {  	s21 =	sadd.s32 $0x0, s8;
	[sflag:s16] =	ssyncadd.s32 $0xFFFFB000  }
0x23: {  	[hbm4b:s21+s3] =	stream.linear.scatter [tilespmem:s14], [sflag:$0x3], $0x5000, $0x38;
	[tilespmem:$0xC8A8] =	vst v63  }
0x24: {  	_ =	swait.ge [sflag:s12], $0x5000  }
0x25: {  	[sflag:s12] =	ssyncset.done $0x0  }
0x26: {  	s30 =	simm.s32 $0x1228;
	[sflag:s12] =	ssyncadd.s32 $0xFFFFB000  }
0x27: {  	[tilespmem:s14], [sflag:$0x1] =	stream.indirect.gather [spmem:s2], $0x40, s30, s13, $0xb8;
	[tilespmem:$0xC8A8] =	vst v63  }
0x28: {  	_ =	swait.ge [sflag:s17], $0x5000  }
0x29: {  	[sflag:s17] =	ssyncset.done $0x0  }
0x2a: {  	s31 =	sadd.s32 $0x0, s9;
	[sflag:s17] =	ssyncadd.s32 $0xFFFFB000  }
0x2b: {  	[hbm4b:s31+s3] =	stream.linear.scatter [tilespmem:s15], [sflag:$0x3], $0x5000, $0x38;
	[tilespmem:$0xC8A8] =	vst v63  }
0x2c: {  	_ =	swait.ge [sflag:s12], $0x5000  }
0x2d: {  	s21 =	simm.s32 $0x1400;
	[sflag:s12] =	ssyncset.done $0x0  }
.LBB2_2:
0x2e: {  	p1 =	sne.s32 s21, $0xA000;
	[sflag:s12] =	ssyncadd.s32 $0xFFFFB000;
	s20 =	sadd.s32 $0x280, s20  }
0x2f: {  	[tilespmem:s15], [sflag:$0x2] =	stream.indirect.gather [spmem:s2], $0x40, s20, s13, $0xb8;
	[tilespmem:$0xC8A8] =	vst v63  }
0x30: {  	s22 =	smov.u32 s21;
	s21 =	sadd.s32 $0x1400, s21;
	_ =	swait.ge [sflag:s16], $0x5000  }
0x31: {  	[sflag:s16] =	ssyncset.done $0x0  }
0x32: {  	s23 =	sadd.s32 s22, s8;
	[sflag:s16] =	ssyncadd.s32 $0xFFFFB000  }
0x33: {  	[hbm4b:s23+s3] =	stream.linear.scatter [tilespmem:s14], [sflag:$0x3], $0x5000, $0x38;
	[tilespmem:$0xC8A8] =	vst v63  }
0x34: {  	_ =	swait.ge [sflag:s12], $0x5000  }
0x35: {  	[sflag:s12] =	ssyncset.done $0x0  }
0x36: {  	s23 =	sadd.s32 $0x140, s20;
	[sflag:s12] =	ssyncadd.s32 $0xFFFFB000  }
0x37: {  	[tilespmem:s14], [sflag:$0x1] =	stream.indirect.gather [spmem:s2], $0x40, s23, s13, $0xb8;
	[tilespmem:$0xC8A8] =	vst v63  }
0x38: {  	_ =	swait.ge [sflag:s17], $0x5000  }
.Ltmp0:
0x39: {  	[sflag:s17] =	ssyncset.done $0x0;
	(pc) =	sbr.rel @p1 .LBB2_2-.Ltmp0, $4  }
0x3a: {  	s22 =	sadd.s32 s22, s9;
	[sflag:s17] =	ssyncadd.s32 $0xFFFFB000  }
0x3b: {  	[hbm4b:s22+s3] =	stream.linear.scatter [tilespmem:s15], [sflag:$0x3], $0x5000, $0x38;
	[tilespmem:$0xC8A8] =	vst v63  }
0x3c: {  	_ =	swait.ge [sflag:s12], $0x5000  }
0x3d: {  	[sflag:s12] =	ssyncset.done $0x0  }
0x3e: {  	[sflag:s12] =	ssyncadd.s32 $0xFFFFB000  }
0x3f: {  	[tilespmem:s15], [sflag:$0x2] =	stream.indirect.gather [spmem:s2], $0x40, s18, s13, $0xb8;
	[tilespmem:$0xC8A8] =	vst v63  }
0x40: {  	_ =	swait.ge [sflag:s16], $0x5000  }
0x41: {  	[sflag:s16] =	ssyncset.done $0x0  }
0x42: {  	[sflag:s16] =	ssyncadd.s32 $0xFFFFB000  }
0x43: {  	[hbm4b:s6+s3] =	stream.linear.scatter [tilespmem:s14], [sflag:$0x3], $0x5000, $0x38;
	[tilespmem:$0xC8A8] =	vst v63  }
0x44: {  	_ =	swait.ge [sflag:s12], $0x5000  }
0x45: {  	[sflag:s12] =	ssyncset.done $0x0  }
0x46: {  	[sflag:s12] =	ssyncadd.s32 $0xFFFFB000  }
0x47: {  	s19 =	sadd.s32 $0x1, s19;
	_ =	swait.ge [sflag:s17], $0x5000  }
0x48: {  	p1 =	sne.s32 s19, s5;
	[sflag:s17] =	ssyncset.done $0x0  }
.Ltmp1:
0x49: {  	[sflag:s17] =	ssyncadd.s32 $0xFFFFB000;
	(pc) =	sbr.rel @p1 .LBB2_1-.Ltmp1, $4  }
0x4a: {  	[hbm4b:s7+s3] =	stream.linear.scatter [tilespmem:s15], [sflag:$0x3], $0x5000, $0x38;
	[tilespmem:$0xC8A8] =	vst v63  }
0x4b: {  	_ =	swait.ge [sflag:s12], $0x5000  }
0x4c: {  	[sflag:s12] =	ssyncset.done $0x0  }
0x4d: {  	[sflag:s12] =	ssyncadd.s32 $0xFFFFB000  }
0x4e: {  	_ =	sfence.sel $0x180000  }
0x4f: {  	[bflag:$0x0] =	sbarrier.arrive $0xFFFF  }
0x50: {  	_ =	strace $0x90000047  }
0x51: {  	s0 =	sadd.s32 @!p0 $0x100000, s1;
	[bflag:$0x2] =	sbarrier.arrive $0xFFFF  }
0x52: {  	[sflag:s0] =	ssyncadd.tile.s32 @!p0 $0x1;
	_ =	shalt  }
.Lfunc_end2:
_tile_overlayer_lowered:
.L_overlay_start_2:
0x53: {  	(tag) =	ssettag $0x2  }
0x54: {  	s0 =	rddreg [dreg:$0x0];
	s2 =	stileid.u32  }
0x55: {  	s1 =	rddreg [dreg:$0x1];
	p0 =	sne.s32 s2, $0x0  }
0x56: {  	s3 =	rddreg [dreg:$0x2];
	[bflag:$0x3] =	sbarrier.arrive $0xFFFF;
	s2 =	simm.s32 @!p0 $0x1C03  }
0x57: {  	[timem:s3], [sflag:s2] =	dma.local @!p0 [hbm:s0], s1  }
0x58: {  	s0 =	simm.s32 @!p0 $0x3  }
0x59: {  	_ =	swait.ge @!p0 [sflag:s0], s1  }
0x5a: {  	s1 =	ssub.s32 @!p0 $0x0, s1;
	[sflag:s0] =	ssyncset.done @!p0 $0x0  }
0x5b: {  	[sflag:s0] =	ssyncadd.s32 @!p0 s1  }
0x5c: {  	[bflag:$0x3] =	sbarrier.arrive $0xFFFF  }
0x5d: {  	_ =	shalt  }

</sc_bundles>
